<compile_context>
chip_gen: v7x
topology: tpu7x:2x2x1
jax: 0.10.2.dev20260603
libtpu: 0.0.44.dev20260713+nightly
codegen_flags: <defaults>
</compile_context>

<pallas_src>
import functools

import jax
import jax.numpy as jnp
from jax import lax
from jax.experimental import pallas as pl
from jax.experimental.pallas import tpu as pltpu
from jax.experimental.pallas import tpu_sc as plsc

_NC = 2
_NS = 16
_L = 16


@functools.lru_cache(maxsize=None)
def _build(S, D):
    half = S // _NC
    P = S + half
    stage = P // _NS
    slabs = S // (_NC * _NS)

    mesh = plsc.VectorSubcoreMesh(core_axis_name="c", subcore_axis_name="s")

    @functools.partial(
        pl.kernel,
        out_type=jax.ShapeDtypeStruct((S * S, D), jnp.float32),
        mesh=mesh,
        scratch_types=[
            pltpu.VMEM((stage,), jnp.int32),
            pltpu.VMEM((stage, D), jnp.float32),
            pltpu.VMEM_SHARED((P, D), jnp.float32),
            pltpu.SemaphoreType.DMA,
        ],
    )
    def k(table, out, idx_v, buf_v, rev, sem):
        c = lax.axis_index("c")
        s = lax.axis_index("s")

        off = (1 - c) * half
        base = s * stage
        for b in range(stage // _L):
            v = (2 * S - 2) - off - base - (b * _L) - lax.iota(jnp.int32, _L)
            idx_v[pl.ds(b * _L, _L)] = jnp.maximum(v, 0)
        pltpu.async_copy(table.at[idx_v], buf_v, sem).wait()
        pltpu.sync_copy(buf_v, rev.at[pl.ds(base, stage)])
        plsc.subcore_barrier()

        copies = []
        for r in range(slabs):
            i = c * half + s + _NS * r
            copies.append(pltpu.async_copy(
                rev.at[pl.ds((S - 1) - i - off, S)],
                out.at[pl.ds(i * S, S)],
                sem))
        for cp in copies:
            cp.wait()

    return k


def kernel(rel_pos_emb, seq_len):
    del seq_len
    T, D = rel_pos_emb.shape
    S = (T + 1) // 2
    out2d = _build(S, D)(rel_pos_emb)
    return out2d.reshape(S, S, D)

# --- scband reference (transcript-rebuilt; emitter-appended) ---
"""Pipeline reference for scband-relative-positional-encoding-21620865368081 (READ-ONLY COPY).

The authoritative reference and input builder live on the scoring server;
editing this copy changes nothing except your own understanding.
"""

import jax, jax.numpy as jnp
import numpy as np

D_MODEL = 128
SEQ_LEN = 512


def setup_inputs(seed: int = 0) -> dict:
    key = jax.random.key(seed)
    # The torch module lazily expands its cached table to max_cached_len = seq_len
    # on the first forward with seq_len > 32. After expansion the effective learned
    # parameter is rel_pos_emb of shape [2*seq_len - 1, d_model]. We materialize it
    # directly (random init so gather is meaningful; torch init is zeros + linear
    # extrapolation of zeros, which is degenerate for testing).
    rel_pos_emb = jax.random.normal(key, (2 * SEQ_LEN - 1, D_MODEL), dtype=jnp.float32) * 0.02
    return {"rel_pos_emb": rel_pos_emb, "seq_len": SEQ_LEN}


def reference(rel_pos_emb, seq_len):
    # static sequence length from the table's static shape: [2S-1, d_model]
    s_static = (rel_pos_emb.shape[0] + 1) // 2
    # positions: [S]
    positions = jnp.arange(s_static)
    # relative position matrix: [S, S] with values in [-(S-1), S-1]
    rel_pos = positions[:, None] - positions[None, :]
    # shift so indices are in [0, 2S-2]  (max_cached_len - 1 == seq_len - 1 post-expansion)
    rel_pos = rel_pos + (seq_len - 1)
    # gather: [S, S, d_model]
    return jnp.take(rel_pos_emb, rel_pos, axis=0)

if __name__ == "__main__":
    import jax
    _d = setup_inputs()
    print(jax.jit(kernel)(*tuple(_d.values())))

</pallas_src>

<mosaic_0001>
#map = affine_map<(d0, d1) -> (0, 0)>
module attributes {stable_mosaic.version = 14 : i64} {
  func.func @k(%arg0: i32, %arg1: i32, %arg2: memref<1023x128xf32, #tpu.memory_space<hbm>>, %arg3: memref<262144x128xf32, #tpu.memory_space<hbm>>, %arg4: memref<48xi32, #tpu.memory_space<vmem>>, %arg5: memref<48x128xf32, #tpu.memory_space<vmem>>, %arg6: memref<768x128xf32, #tpu.memory_space<vmem_shared>>, %arg7: memref<!tpu.dma_semaphore, #tpu.memory_space<semaphore_mem>>) attributes {dimension_semantics = [#tpu.dimension_semantics<core_parallel>, #tpu.dimension_semantics<subcore_parallel>], iteration_bounds = array<i64: 2, 16>, scalar_prefetch = 0 : i64, scratch_operands = 4 : i64, tpu.core_type = #tpu.core_type<sc_vector_subcore>, window_params = [{transform_indices = #map}, {transform_indices = #map}]} {
    %sub3A = arith.constant 1 : i32
    %sub3A_0 = arith.subi %sub3A, %arg0 : i32
    %mul3A = arith.constant 256 : i32
    %mul3A_1 = arith.muli %sub3A_0, %mul3A : i32
    %mul3A_2 = arith.constant 48 : i32
    %mul3A_3 = arith.muli %arg1, %mul3A_2 : i32
    %sub3A_4 = arith.constant 1022 : i32
    %sub3A_5 = arith.subi %sub3A_4, %mul3A_1 : i32
    %sub3A_6 = arith.subi %sub3A_5, %mul3A_3 : i32
    %sub3A_7 = arith.constant 0 : i32
    %sub3A_8 = arith.subi %sub3A_6, %sub3A_7 : i32
    %iota3A = tpu.iota {dimensions = array<i32: 0>} : vector<16xi32>
    %sub3A_9 = vector.broadcast %sub3A_8 : i32 to vector<16xi32>
    %sub3A_10 = arith.subi %sub3A_9, %iota3A : vector<16xi32>
    %max3A = arith.constant 0 : i32
    %max3A_11 = vector.broadcast %max3A : i32 to vector<16xi32>
    %max3A_12 = arith.maxsi %sub3A_10, %max3A_11 : vector<16xi32>
    %swap3A = arith.constant 0 : index
    %swap3A_13 = tpu.vector_load %arg4[%swap3A] {strides = array<i32>} : memref<48xi32, #tpu.memory_space<vmem>>, vector<16xi32>,
    %swap3A_14 = vector.shape_cast %swap3A_13 : vector<16xi32> to vector<16xi32>
    %swap3A_15 = vector.shape_cast %max3A_12 : vector<16xi32> to vector<16xi32>
    tpu.vector_store %arg4[%swap3A], %swap3A_15 {strides = array<i32>} : memref<48xi32, #tpu.memory_space<vmem>>, vector<16xi32>,
    %sub3A_16 = arith.constant 1022 : i32
    %sub3A_17 = arith.subi %sub3A_16, %mul3A_1 : i32
    %sub3A_18 = arith.subi %sub3A_17, %mul3A_3 : i32
    %sub3A_19 = arith.constant 16 : i32
    %sub3A_20 = arith.subi %sub3A_18, %sub3A_19 : i32
    %iota3A_21 = tpu.iota {dimensions = array<i32: 0>} : vector<16xi32>
    %sub3A_22 = vector.broadcast %sub3A_20 : i32 to vector<16xi32>
    %sub3A_23 = arith.subi %sub3A_22, %iota3A_21 : vector<16xi32>
    %max3A_24 = arith.constant 0 : i32
    %max3A_25 = vector.broadcast %max3A_24 : i32 to vector<16xi32>
    %max3A_26 = arith.maxsi %sub3A_23, %max3A_25 : vector<16xi32>
    %swap3A_27 = arith.constant 16 : index
    %swap3A_28 = tpu.vector_load %arg4[%swap3A_27] {strides = array<i32>} : memref<48xi32, #tpu.memory_space<vmem>>, vector<16xi32>,
    %swap3A_29 = vector.shape_cast %swap3A_28 : vector<16xi32> to vector<16xi32>
    %swap3A_30 = vector.shape_cast %max3A_26 : vector<16xi32> to vector<16xi32>
    tpu.vector_store %arg4[%swap3A_27], %swap3A_30 {strides = array<i32>} : memref<48xi32, #tpu.memory_space<vmem>>, vector<16xi32>,
    %sub3A_31 = arith.constant 1022 : i32
    %sub3A_32 = arith.subi %sub3A_31, %mul3A_1 : i32
    %sub3A_33 = arith.subi %sub3A_32, %mul3A_3 : i32
    %sub3A_34 = arith.constant 32 : i32
    %sub3A_35 = arith.subi %sub3A_33, %sub3A_34 : i32
    %iota3A_36 = tpu.iota {dimensions = array<i32: 0>} : vector<16xi32>
    %sub3A_37 = vector.broadcast %sub3A_35 : i32 to vector<16xi32>
    %sub3A_38 = arith.subi %sub3A_37, %iota3A_36 : vector<16xi32>
    %max3A_39 = arith.constant 0 : i32
    %max3A_40 = vector.broadcast %max3A_39 : i32 to vector<16xi32>
    %max3A_41 = arith.maxsi %sub3A_38, %max3A_40 : vector<16xi32>
    %swap3A_42 = arith.constant 32 : index
    %swap3A_43 = tpu.vector_load %arg4[%swap3A_42] {strides = array<i32>} : memref<48xi32, #tpu.memory_space<vmem>>, vector<16xi32>,
    %swap3A_44 = vector.shape_cast %swap3A_43 : vector<16xi32> to vector<16xi32>
    %swap3A_45 = vector.shape_cast %max3A_41 : vector<16xi32> to vector<16xi32>
    tpu.vector_store %arg4[%swap3A_42], %swap3A_45 {strides = array<i32>} : memref<48xi32, #tpu.memory_space<vmem>>, vector<16xi32>,
    %dma_start3A = arith.constant 0 : i32
    %dma_start3A_46 = arith.constant 0 : i32
    %dma_start3A_47 = tpu.memref_slice %arg2[%dma_start3A, %dma_start3A_46] : memref<1023x128xf32, #tpu.memory_space<hbm>> -> memref<1023x128xf32, #tpu.memory_space<hbm>>
    tpu.enqueue_indirect_dma source(%dma_start3A_47 : memref<1023x128xf32, #tpu.memory_space<hbm>>) target(%arg5 : memref<48x128xf32, #tpu.memory_space<vmem>>) offsets(%arg4 : memref<48xi32, #tpu.memory_space<vmem>>) semaphore(%arg7 : memref<!tpu.dma_semaphore, #tpu.memory_space<semaphore_mem>>)
    %dma_wait3A = arith.constant 0 : i32
    %dma_wait3A_48 = arith.constant 0 : i32
    %dma_wait3A_49 = tpu.memref_slice %arg2[%dma_wait3A, %dma_wait3A_48] : memref<1023x128xf32, #tpu.memory_space<hbm>> -> memref<1023x128xf32, #tpu.memory_space<hbm>>
    tpu.wait_indirect_dma semaphore(%arg7 : memref<!tpu.dma_semaphore, #tpu.memory_space<semaphore_mem>>) src(%dma_wait3A_49 : memref<1023x128xf32, #tpu.memory_space<hbm>>) dst(%arg5 : memref<48x128xf32, #tpu.memory_space<vmem>>)
    "tpu.region"() ({
      %run_scoped3A = tpu.sem_alloc : memref<!tpu.dma_semaphore, #tpu.memory_space<semaphore_mem>>
      %dma_start3A_337 = arith.constant 0 : i32
      %dma_start3A_338 = tpu.memref_slice %arg6[%mul3A_3, %dma_start3A_337] : memref<768x128xf32, #tpu.memory_space<vmem_shared>> -> memref<48x128xf32, #tpu.memory_space<vmem_shared>>
      %dma_start3A_339 = arith.constant 0 : i32
      %dma_start3A_340 = tpu.memref_slice %arg6[%mul3A_3, %dma_start3A_339] : memref<768x128xf32, #tpu.memory_space<vmem_shared>> -> memref<48x128xf32, #tpu.memory_space<vmem_shared>>
      tpu.enqueue_dma source(%arg5 : memref<48x128xf32, #tpu.memory_space<vmem>>) target(%dma_start3A_340 : memref<48x128xf32, #tpu.memory_space<vmem_shared>>) target_semaphore(%run_scoped3A : memref<!tpu.dma_semaphore, #tpu.memory_space<semaphore_mem>>)
      %dma_wait3A_341 = arith.constant 0 : i32
      %dma_wait3A_342 = tpu.memref_slice %arg6[%mul3A_3, %dma_wait3A_341] : memref<768x128xf32, #tpu.memory_space<vmem_shared>> -> memref<48x128xf32, #tpu.memory_space<vmem_shared>>
      %dma_wait3A_343 = arith.constant 0 : i32
      %dma_wait3A_344 = tpu.memref_slice %arg6[%mul3A_3, %dma_wait3A_343] : memref<768x128xf32, #tpu.memory_space<vmem_shared>> -> memref<48x128xf32, #tpu.memory_space<vmem_shared>>
      tpu.wait_dma2 semaphore(%run_scoped3A : memref<!tpu.dma_semaphore, #tpu.memory_space<semaphore_mem>>) src(%arg5 : memref<48x128xf32, #tpu.memory_space<vmem>>) dst(%dma_wait3A_344 : memref<48x128xf32, #tpu.memory_space<vmem_shared>>)
      tpu.yield
    }) : () -> ()
    %barrier3A = arith.constant 0 : index
    tpu.barrier barrier_id(%barrier3A)
    %mul3A_50 = arith.constant 256 : i32
    %mul3A_51 = arith.muli %arg0, %mul3A_50 : i32
    %add3A = arith.addi %mul3A_51, %arg1 : i32
    %add3A_52 = arith.constant 0 : i32
    %add3A_53 = arith.addi %add3A, %add3A_52 : i32
    %sub3A_54 = arith.constant 511 : i32
    %sub3A_55 = arith.subi %sub3A_54, %add3A_53 : i32
    %sub3A_56 = arith.subi %sub3A_55, %mul3A_1 : i32
    %mul3A_57 = arith.constant 512 : i32
    %mul3A_58 = arith.muli %add3A_53, %mul3A_57 : i32
    %dma_start3A_59 = arith.constant 0 : i32
    %dma_start3A_60 = tpu.memref_slice %arg3[%mul3A_58, %dma_start3A_59] : memref<262144x128xf32, #tpu.memory_space<hbm>> -> memref<512x128xf32, #tpu.memory_space<hbm>>
    %dma_start3A_61 = arith.constant 0 : i32
    %dma_start3A_62 = tpu.memref_slice %arg6[%sub3A_56, %dma_start3A_61] : memref<768x128xf32, #tpu.memory_space<vmem_shared>> -> memref<512x128xf32, #tpu.memory_space<vmem_shared>>
    tpu.enqueue_dma source(%dma_start3A_62 : memref<512x128xf32, #tpu.memory_space<vmem_shared>>) target(%dma_start3A_60 : memref<512x128xf32, #tpu.memory_space<hbm>>) target_semaphore(%arg7 : memref<!tpu.dma_semaphore, #tpu.memory_space<semaphore_mem>>)
    %mul3A_63 = arith.constant 256 : i32
    %mul3A_64 = arith.muli %arg0, %mul3A_63 : i32
    %add3A_65 = arith.addi %mul3A_64, %arg1 : i32
    %add3A_66 = arith.constant 16 : i32
    %add3A_67 = arith.addi %add3A_65, %add3A_66 : i32
    %sub3A_68 = arith.constant 511 : i32
    %sub3A_69 = arith.subi %sub3A_68, %add3A_67 : i32
    %sub3A_70 = arith.subi %sub3A_69, %mul3A_1 : i32
    %mul3A_71 = arith.constant 512 : i32
    %mul3A_72 = arith.muli %add3A_67, %mul3A_71 : i32
    %dma_start3A_73 = arith.constant 0 : i32
    %dma_start3A_74 = tpu.memref_slice %arg3[%mul3A_72, %dma_start3A_73] : memref<262144x128xf32, #tpu.memory_space<hbm>> -> memref<512x128xf32, #tpu.memory_space<hbm>>
    %dma_start3A_75 = arith.constant 0 : i32
    %dma_start3A_76 = tpu.memref_slice %arg6[%sub3A_70, %dma_start3A_75] : memref<768x128xf32, #tpu.memory_space<vmem_shared>> -> memref<512x128xf32, #tpu.memory_space<vmem_shared>>
    tpu.enqueue_dma source(%dma_start3A_76 : memref<512x128xf32, #tpu.memory_space<vmem_shared>>) target(%dma_start3A_74 : memref<512x128xf32, #tpu.memory_space<hbm>>) target_semaphore(%arg7 : memref<!tpu.dma_semaphore, #tpu.memory_space<semaphore_mem>>)
    %mul3A_77 = arith.constant 256 : i32
    %mul3A_78 = arith.muli %arg0, %mul3A_77 : i32
    %add3A_79 = arith.addi %mul3A_78, %arg1 : i32
    %add3A_80 = arith.constant 32 : i32
    %add3A_81 = arith.addi %add3A_79, %add3A_80 : i32
    %sub3A_82 = arith.constant 511 : i32
    %sub3A_83 = arith.subi %sub3A_82, %add3A_81 : i32
    %sub3A_84 = arith.subi %sub3A_83, %mul3A_1 : i32
    %mul3A_85 = arith.constant 512 : i32
    %mul3A_86 = arith.muli %add3A_81, %mul3A_85 : i32
    %dma_start3A_87 = arith.constant 0 : i32
    %dma_start3A_88 = tpu.memref_slice %arg3[%mul3A_86, %dma_start3A_87] : memref<262144x128xf32, #tpu.memory_space<hbm>> -> memref<512x128xf32, #tpu.memory_space<hbm>>
    %dma_start3A_89 = arith.constant 0 : i32
    %dma_start3A_90 = tpu.memref_slice %arg6[%sub3A_84, %dma_start3A_89] : memref<768x128xf32, #tpu.memory_space<vmem_shared>> -> memref<512x128xf32, #tpu.memory_space<vmem_shared>>
    tpu.enqueue_dma source(%dma_start3A_90 : memref<512x128xf32, #tpu.memory_space<vmem_shared>>) target(%dma_start3A_88 : memref<512x128xf32, #tpu.memory_space<hbm>>) target_semaphore(%arg7 : memref<!tpu.dma_semaphore, #tpu.memory_space<semaphore_mem>>)
    %mul3A_91 = arith.constant 256 : i32
    %mul3A_92 = arith.muli %arg0, %mul3A_91 : i32
    %add3A_93 = arith.addi %mul3A_92, %arg1 : i32
    %add3A_94 = arith.constant 48 : i32
    %add3A_95 = arith.addi %add3A_93, %add3A_94 : i32
    %sub3A_96 = arith.constant 511 : i32
    %sub3A_97 = arith.subi %sub3A_96, %add3A_95 : i32
    %sub3A_98 = arith.subi %sub3A_97, %mul3A_1 : i32
    %mul3A_99 = arith.constant 512 : i32
    %mul3A_100 = arith.muli %add3A_95, %mul3A_99 : i32
    %dma_start3A_101 = arith.constant 0 : i32
    %dma_start3A_102 = tpu.memref_slice %arg3[%mul3A_100, %dma_start3A_101] : memref<262144x128xf32, #tpu.memory_space<hbm>> -> memref<512x128xf32, #tpu.memory_space<hbm>>
    %dma_start3A_103 = arith.constant 0 : i32
    %dma_start3A_104 = tpu.memref_slice %arg6[%sub3A_98, %dma_start3A_103] : memref<768x128xf32, #tpu.memory_space<vmem_shared>> -> memref<512x128xf32, #tpu.memory_space<vmem_shared>>
    tpu.enqueue_dma source(%dma_start3A_104 : memref<512x128xf32, #tpu.memory_space<vmem_shared>>) target(%dma_start3A_102 : memref<512x128xf32, #tpu.memory_space<hbm>>) target_semaphore(%arg7 : memref<!tpu.dma_semaphore, #tpu.memory_space<semaphore_mem>>)
    %mul3A_105 = arith.constant 256 : i32
    %mul3A_106 = arith.muli %arg0, %mul3A_105 : i32
    %add3A_107 = arith.addi %mul3A_106, %arg1 : i32
    %add3A_108 = arith.constant 64 : i32
    %add3A_109 = arith.addi %add3A_107, %add3A_108 : i32
    %sub3A_110 = arith.constant 511 : i32
    %sub3A_111 = arith.subi %sub3A_110, %add3A_109 : i32
    %sub3A_112 = arith.subi %sub3A_111, %mul3A_1 : i32
    %mul3A_113 = arith.constant 512 : i32
    %mul3A_114 = arith.muli %add3A_109, %mul3A_113 : i32
    %dma_start3A_115 = arith.constant 0 : i32
    %dma_start3A_116 = tpu.memref_slice %arg3[%mul3A_114, %dma_start3A_115] : memref<262144x128xf32, #tpu.memory_space<hbm>> -> memref<512x128xf32, #tpu.memory_space<hbm>>
    %dma_start3A_117 = arith.constant 0 : i32
    %dma_start3A_118 = tpu.memref_slice %arg6[%sub3A_112, %dma_start3A_117] : memref<768x128xf32, #tpu.memory_space<vmem_shared>> -> memref<512x128xf32, #tpu.memory_space<vmem_shared>>
    tpu.enqueue_dma source(%dma_start3A_118 : memref<512x128xf32, #tpu.memory_space<vmem_shared>>) target(%dma_start3A_116 : memref<512x128xf32, #tpu.memory_space<hbm>>) target_semaphore(%arg7 : memref<!tpu.dma_semaphore, #tpu.memory_space<semaphore_mem>>)
    %mul3A_119 = arith.constant 256 : i32
    %mul3A_120 = arith.muli %arg0, %mul3A_119 : i32
    %add3A_121 = arith.addi %mul3A_120, %arg1 : i32
    %add3A_122 = arith.constant 80 : i32
    %add3A_123 = arith.addi %add3A_121, %add3A_122 : i32
    %sub3A_124 = arith.constant 511 : i32
    %sub3A_125 = arith.subi %sub3A_124, %add3A_123 : i32
    %sub3A_126 = arith.subi %sub3A_125, %mul3A_1 : i32
    %mul3A_127 = arith.constant 512 : i32
    %mul3A_128 = arith.muli %add3A_123, %mul3A_127 : i32
    %dma_start3A_129 = arith.constant 0 : i32
    %dma_start3A_130 = tpu.memref_slice %arg3[%mul3A_128, %dma_start3A_129] : memref<262144x128xf32, #tpu.memory_space<hbm>> -> memref<512x128xf32, #tpu.memory_space<hbm>>
    %dma_start3A_131 = arith.constant 0 : i32
    %dma_start3A_132 = tpu.memref_slice %arg6[%sub3A_126, %dma_start3A_131] : memref<768x128xf32, #tpu.memory_space<vmem_shared>> -> memref<512x128xf32, #tpu.memory_space<vmem_shared>>
    tpu.enqueue_dma source(%dma_start3A_132 : memref<512x128xf32, #tpu.memory_space<vmem_shared>>) target(%dma_start3A_130 : memref<512x128xf32, #tpu.memory_space<hbm>>) target_semaphore(%arg7 : memref<!tpu.dma_semaphore, #tpu.memory_space<semaphore_mem>>)
    %mul3A_133 = arith.constant 256 : i32
    %mul3A_134 = arith.muli %arg0, %mul3A_133 : i32
    %add3A_135 = arith.addi %mul3A_134, %arg1 : i32
    %add3A_136 = arith.constant 96 : i32
    %add3A_137 = arith.addi %add3A_135, %add3A_136 : i32
    %sub3A_138 = arith.constant 511 : i32
    %sub3A_139 = arith.subi %sub3A_138, %add3A_137 : i32
    %sub3A_140 = arith.subi %sub3A_139, %mul3A_1 : i32
    %mul3A_141 = arith.constant 512 : i32
    %mul3A_142 = arith.muli %add3A_137, %mul3A_141 : i32
    %dma_start3A_143 = arith.constant 0 : i32
    %dma_start3A_144 = tpu.memref_slice %arg3[%mul3A_142, %dma_start3A_143] : memref<262144x128xf32, #tpu.memory_space<hbm>> -> memref<512x128xf32, #tpu.memory_space<hbm>>
    %dma_start3A_145 = arith.constant 0 : i32
    %dma_start3A_146 = tpu.memref_slice %arg6[%sub3A_140, %dma_start3A_145] : memref<768x128xf32, #tpu.memory_space<vmem_shared>> -> memref<512x128xf32, #tpu.memory_space<vmem_shared>>
    tpu.enqueue_dma source(%dma_start3A_146 : memref<512x128xf32, #tpu.memory_space<vmem_shared>>) target(%dma_start3A_144 : memref<512x128xf32, #tpu.memory_space<hbm>>) target_semaphore(%arg7 : memref<!tpu.dma_semaphore, #tpu.memory_space<semaphore_mem>>)
    %mul3A_147 = arith.constant 256 : i32
    %mul3A_148 = arith.muli %arg0, %mul3A_147 : i32
    %add3A_149 = arith.addi %mul3A_148, %arg1 : i32
    %add3A_150 = arith.constant 112 : i32
    %add3A_151 = arith.addi %add3A_149, %add3A_150 : i32
    %sub3A_152 = arith.constant 511 : i32
    %sub3A_153 = arith.subi %sub3A_152, %add3A_151 : i32
    %sub3A_154 = arith.subi %sub3A_153, %mul3A_1 : i32
    %mul3A_155 = arith.constant 512 : i32
    %mul3A_156 = arith.muli %add3A_151, %mul3A_155 : i32
    %dma_start3A_157 = arith.constant 0 : i32
    %dma_start3A_158 = tpu.memref_slice %arg3[%mul3A_156, %dma_start3A_157] : memref<262144x128xf32, #tpu.memory_space<hbm>> -> memref<512x128xf32, #tpu.memory_space<hbm>>
    %dma_start3A_159 = arith.constant 0 : i32
    %dma_start3A_160 = tpu.memref_slice %arg6[%sub3A_154, %dma_start3A_159] : memref<768x128xf32, #tpu.memory_space<vmem_shared>> -> memref<512x128xf32, #tpu.memory_space<vmem_shared>>
    tpu.enqueue_dma source(%dma_start3A_160 : memref<512x128xf32, #tpu.memory_space<vmem_shared>>) target(%dma_start3A_158 : memref<512x128xf32, #tpu.memory_space<hbm>>) target_semaphore(%arg7 : memref<!tpu.dma_semaphore, #tpu.memory_space<semaphore_mem>>)
    %mul3A_161 = arith.constant 256 : i32
    %mul3A_162 = arith.muli %arg0, %mul3A_161 : i32
    %add3A_163 = arith.addi %mul3A_162, %arg1 : i32
    %add3A_164 = arith.constant 128 : i32
    %add3A_165 = arith.addi %add3A_163, %add3A_164 : i32
    %sub3A_166 = arith.constant 511 : i32
    %sub3A_167 = arith.subi %sub3A_166, %add3A_165 : i32
    %sub3A_168 = arith.subi %sub3A_167, %mul3A_1 : i32
    %mul3A_169 = arith.constant 512 : i32
    %mul3A_170 = arith.muli %add3A_165, %mul3A_169 : i32
    %dma_start3A_171 = arith.constant 0 : i32
    %dma_start3A_172 = tpu.memref_slice %arg3[%mul3A_170, %dma_start3A_171] : memref<262144x128xf32, #tpu.memory_space<hbm>> -> memref<512x128xf32, #tpu.memory_space<hbm>>
    %dma_start3A_173 = arith.constant 0 : i32
    %dma_start3A_174 = tpu.memref_slice %arg6[%sub3A_168, %dma_start3A_173] : memref<768x128xf32, #tpu.memory_space<vmem_shared>> -> memref<512x128xf32, #tpu.memory_space<vmem_shared>>
    tpu.enqueue_dma source(%dma_start3A_174 : memref<512x128xf32, #tpu.memory_space<vmem_shared>>) target(%dma_start3A_172 : memref<512x128xf32, #tpu.memory_space<hbm>>) target_semaphore(%arg7 : memref<!tpu.dma_semaphore, #tpu.memory_space<semaphore_mem>>)
    %mul3A_175 = arith.constant 256 : i32
    %mul3A_176 = arith.muli %arg0, %mul3A_175 : i32
    %add3A_177 = arith.addi %mul3A_176, %arg1 : i32
    %add3A_178 = arith.constant 144 : i32
    %add3A_179 = arith.addi %add3A_177, %add3A_178 : i32
    %sub3A_180 = arith.constant 511 : i32
    %sub3A_181 = arith.subi %sub3A_180, %add3A_179 : i32
    %sub3A_182 = arith.subi %sub3A_181, %mul3A_1 : i32
    %mul3A_183 = arith.constant 512 : i32
    %mul3A_184 = arith.muli %add3A_179, %mul3A_183 : i32
    %dma_start3A_185 = arith.constant 0 : i32
    %dma_start3A_186 = tpu.memref_slice %arg3[%mul3A_184, %dma_start3A_185] : memref<262144x128xf32, #tpu.memory_space<hbm>> -> memref<512x128xf32, #tpu.memory_space<hbm>>
    %dma_start3A_187 = arith.constant 0 : i32
    %dma_start3A_188 = tpu.memref_slice %arg6[%sub3A_182, %dma_start3A_187] : memref<768x128xf32, #tpu.memory_space<vmem_shared>> -> memref<512x128xf32, #tpu.memory_space<vmem_shared>>
    tpu.enqueue_dma source(%dma_start3A_188 : memref<512x128xf32, #tpu.memory_space<vmem_shared>>) target(%dma_start3A_186 : memref<512x128xf32, #tpu.memory_space<hbm>>) target_semaphore(%arg7 : memref<!tpu.dma_semaphore, #tpu.memory_space<semaphore_mem>>)
    %mul3A_189 = arith.constant 256 : i32
    %mul3A_190 = arith.muli %arg0, %mul3A_189 : i32
    %add3A_191 = arith.addi %mul3A_190, %arg1 : i32
    %add3A_192 = arith.constant 160 : i32
    %add3A_193 = arith.addi %add3A_191, %add3A_192 : i32
    %sub3A_194 = arith.constant 511 : i32
    %sub3A_195 = arith.subi %sub3A_194, %add3A_193 : i32
    %sub3A_196 = arith.subi %sub3A_195, %mul3A_1 : i32
    %mul3A_197 = arith.constant 512 : i32
    %mul3A_198 = arith.muli %add3A_193, %mul3A_197 : i32
    %dma_start3A_199 = arith.constant 0 : i32
    %dma_start3A_200 = tpu.memref_slice %arg3[%mul3A_198, %dma_start3A_199] : memref<262144x128xf32, #tpu.memory_space<hbm>> -> memref<512x128xf32, #tpu.memory_space<hbm>>
    %dma_start3A_201 = arith.constant 0 : i32
    %dma_start3A_202 = tpu.memref_slice %arg6[%sub3A_196, %dma_start3A_201] : memref<768x128xf32, #tpu.memory_space<vmem_shared>> -> memref<512x128xf32, #tpu.memory_space<vmem_shared>>
    tpu.enqueue_dma source(%dma_start3A_202 : memref<512x128xf32, #tpu.memory_space<vmem_shared>>) target(%dma_start3A_200 : memref<512x128xf32, #tpu.memory_space<hbm>>) target_semaphore(%arg7 : memref<!tpu.dma_semaphore, #tpu.memory_space<semaphore_mem>>)
    %mul3A_203 = arith.constant 256 : i32
    %mul3A_204 = arith.muli %arg0, %mul3A_203 : i32
    %add3A_205 = arith.addi %mul3A_204, %arg1 : i32
    %add3A_206 = arith.constant 176 : i32
    %add3A_207 = arith.addi %add3A_205, %add3A_206 : i32
    %sub3A_208 = arith.constant 511 : i32
    %sub3A_209 = arith.subi %sub3A_208, %add3A_207 : i32
    %sub3A_210 = arith.subi %sub3A_209, %mul3A_1 : i32
    %mul3A_211 = arith.constant 512 : i32
    %mul3A_212 = arith.muli %add3A_207, %mul3A_211 : i32
    %dma_start3A_213 = arith.constant 0 : i32
    %dma_start3A_214 = tpu.memref_slice %arg3[%mul3A_212, %dma_start3A_213] : memref<262144x128xf32, #tpu.memory_space<hbm>> -> memref<512x128xf32, #tpu.memory_space<hbm>>
    %dma_start3A_215 = arith.constant 0 : i32
    %dma_start3A_216 = tpu.memref_slice %arg6[%sub3A_210, %dma_start3A_215] : memref<768x128xf32, #tpu.memory_space<vmem_shared>> -> memref<512x128xf32, #tpu.memory_space<vmem_shared>>
    tpu.enqueue_dma source(%dma_start3A_216 : memref<512x128xf32, #tpu.memory_space<vmem_shared>>) target(%dma_start3A_214 : memref<512x128xf32, #tpu.memory_space<hbm>>) target_semaphore(%arg7 : memref<!tpu.dma_semaphore, #tpu.memory_space<semaphore_mem>>)
    %mul3A_217 = arith.constant 256 : i32
    %mul3A_218 = arith.muli %arg0, %mul3A_217 : i32
    %add3A_219 = arith.addi %mul3A_218, %arg1 : i32
    %add3A_220 = arith.constant 192 : i32
    %add3A_221 = arith.addi %add3A_219, %add3A_220 : i32
    %sub3A_222 = arith.constant 511 : i32
    %sub3A_223 = arith.subi %sub3A_222, %add3A_221 : i32
    %sub3A_224 = arith.subi %sub3A_223, %mul3A_1 : i32
    %mul3A_225 = arith.constant 512 : i32
    %mul3A_226 = arith.muli %add3A_221, %mul3A_225 : i32
    %dma_start3A_227 = arith.constant 0 : i32
    %dma_start3A_228 = tpu.memref_slice %arg3[%mul3A_226, %dma_start3A_227] : memref<262144x128xf32, #tpu.memory_space<hbm>> -> memref<512x128xf32, #tpu.memory_space<hbm>>
    %dma_start3A_229 = arith.constant 0 : i32
    %dma_start3A_230 = tpu.memref_slice %arg6[%sub3A_224, %dma_start3A_229] : memref<768x128xf32, #tpu.memory_space<vmem_shared>> -> memref<512x128xf32, #tpu.memory_space<vmem_shared>>
    tpu.enqueue_dma source(%dma_start3A_230 : memref<512x128xf32, #tpu.memory_space<vmem_shared>>) target(%dma_start3A_228 : memref<512x128xf32, #tpu.memory_space<hbm>>) target_semaphore(%arg7 : memref<!tpu.dma_semaphore, #tpu.memory_space<semaphore_mem>>)
    %mul3A_231 = arith.constant 256 : i32
    %mul3A_232 = arith.muli %arg0, %mul3A_231 : i32
    %add3A_233 = arith.addi %mul3A_232, %arg1 : i32
    %add3A_234 = arith.constant 208 : i32
    %add3A_235 = arith.addi %add3A_233, %add3A_234 : i32
    %sub3A_236 = arith.constant 511 : i32
    %sub3A_237 = arith.subi %sub3A_236, %add3A_235 : i32
    %sub3A_238 = arith.subi %sub3A_237, %mul3A_1 : i32
    %mul3A_239 = arith.constant 512 : i32
    %mul3A_240 = arith.muli %add3A_235, %mul3A_239 : i32
    %dma_start3A_241 = arith.constant 0 : i32
    %dma_start3A_242 = tpu.memref_slice %arg3[%mul3A_240, %dma_start3A_241] : memref<262144x128xf32, #tpu.memory_space<hbm>> -> memref<512x128xf32, #tpu.memory_space<hbm>>
    %dma_start3A_243 = arith.constant 0 : i32
    %dma_start3A_244 = tpu.memref_slice %arg6[%sub3A_238, %dma_start3A_243] : memref<768x128xf32, #tpu.memory_space<vmem_shared>> -> memref<512x128xf32, #tpu.memory_space<vmem_shared>>
    tpu.enqueue_dma source(%dma_start3A_244 : memref<512x128xf32, #tpu.memory_space<vmem_shared>>) target(%dma_start3A_242 : memref<512x128xf32, #tpu.memory_space<hbm>>) target_semaphore(%arg7 : memref<!tpu.dma_semaphore, #tpu.memory_space<semaphore_mem>>)
    %mul3A_245 = arith.constant 256 : i32
    %mul3A_246 = arith.muli %arg0, %mul3A_245 : i32
    %add3A_247 = arith.addi %mul3A_246, %arg1 : i32
    %add3A_248 = arith.constant 224 : i32
    %add3A_249 = arith.addi %add3A_247, %add3A_248 : i32
    %sub3A_250 = arith.constant 511 : i32
    %sub3A_251 = arith.subi %sub3A_250, %add3A_249 : i32
    %sub3A_252 = arith.subi %sub3A_251, %mul3A_1 : i32
    %mul3A_253 = arith.constant 512 : i32
    %mul3A_254 = arith.muli %add3A_249, %mul3A_253 : i32
    %dma_start3A_255 = arith.constant 0 : i32
    %dma_start3A_256 = tpu.memref_slice %arg3[%mul3A_254, %dma_start3A_255] : memref<262144x128xf32, #tpu.memory_space<hbm>> -> memref<512x128xf32, #tpu.memory_space<hbm>>
    %dma_start3A_257 = arith.constant 0 : i32
    %dma_start3A_258 = tpu.memref_slice %arg6[%sub3A_252, %dma_start3A_257] : memref<768x128xf32, #tpu.memory_space<vmem_shared>> -> memref<512x128xf32, #tpu.memory_space<vmem_shared>>
    tpu.enqueue_dma source(%dma_start3A_258 : memref<512x128xf32, #tpu.memory_space<vmem_shared>>) target(%dma_start3A_256 : memref<512x128xf32, #tpu.memory_space<hbm>>) target_semaphore(%arg7 : memref<!tpu.dma_semaphore, #tpu.memory_space<semaphore_mem>>)
    %mul3A_259 = arith.constant 256 : i32
    %mul3A_260 = arith.muli %arg0, %mul3A_259 : i32
    %add3A_261 = arith.addi %mul3A_260, %arg1 : i32
    %add3A_262 = arith.constant 240 : i32
    %add3A_263 = arith.addi %add3A_261, %add3A_262 : i32
    %sub3A_264 = arith.constant 511 : i32
    %sub3A_265 = arith.subi %sub3A_264, %add3A_263 : i32
    %sub3A_266 = arith.subi %sub3A_265, %mul3A_1 : i32
    %mul3A_267 = arith.constant 512 : i32
    %mul3A_268 = arith.muli %add3A_263, %mul3A_267 : i32
    %dma_start3A_269 = arith.constant 0 : i32
    %dma_start3A_270 = tpu.memref_slice %arg3[%mul3A_268, %dma_start3A_269] : memref<262144x128xf32, #tpu.memory_space<hbm>> -> memref<512x128xf32, #tpu.memory_space<hbm>>
    %dma_start3A_271 = arith.constant 0 : i32
    %dma_start3A_272 = tpu.memref_slice %arg6[%sub3A_266, %dma_start3A_271] : memref<768x128xf32, #tpu.memory_space<vmem_shared>> -> memref<512x128xf32, #tpu.memory_space<vmem_shared>>
    tpu.enqueue_dma source(%dma_start3A_272 : memref<512x128xf32, #tpu.memory_space<vmem_shared>>) target(%dma_start3A_270 : memref<512x128xf32, #tpu.memory_space<hbm>>) target_semaphore(%arg7 : memref<!tpu.dma_semaphore, #tpu.memory_space<semaphore_mem>>)
    %dma_wait3A_273 = arith.constant 0 : i32
    %dma_wait3A_274 = tpu.memref_slice %arg3[%mul3A_58, %dma_wait3A_273] : memref<262144x128xf32, #tpu.memory_space<hbm>> -> memref<512x128xf32, #tpu.memory_space<hbm>>
    %dma_wait3A_275 = arith.constant 0 : i32
    %dma_wait3A_276 = tpu.memref_slice %arg6[%sub3A_56, %dma_wait3A_275] : memref<768x128xf32, #tpu.memory_space<vmem_shared>> -> memref<512x128xf32, #tpu.memory_space<vmem_shared>>
    tpu.wait_dma2 semaphore(%arg7 : memref<!tpu.dma_semaphore, #tpu.memory_space<semaphore_mem>>) src(%dma_wait3A_276 : memref<512x128xf32, #tpu.memory_space<vmem_shared>>) dst(%dma_wait3A_274 : memref<512x128xf32, #tpu.memory_space<hbm>>)
    %dma_wait3A_277 = arith.constant 0 : i32
    %dma_wait3A_278 = tpu.memref_slice %arg3[%mul3A_72, %dma_wait3A_277] : memref<262144x128xf32, #tpu.memory_space<hbm>> -> memref<512x128xf32, #tpu.memory_space<hbm>>
    %dma_wait3A_279 = arith.constant 0 : i32
    %dma_wait3A_280 = tpu.memref_slice %arg6[%sub3A_70, %dma_wait3A_279] : memref<768x128xf32, #tpu.memory_space<vmem_shared>> -> memref<512x128xf32, #tpu.memory_space<vmem_shared>>
    tpu.wait_dma2 semaphore(%arg7 : memref<!tpu.dma_semaphore, #tpu.memory_space<semaphore_mem>>) src(%dma_wait3A_280 : memref<512x128xf32, #tpu.memory_space<vmem_shared>>) dst(%dma_wait3A_278 : memref<512x128xf32, #tpu.memory_space<hbm>>)
    %dma_wait3A_281 = arith.constant 0 : i32
    %dma_wait3A_282 = tpu.memref_slice %arg3[%mul3A_86, %dma_wait3A_281] : memref<262144x128xf32, #tpu.memory_space<hbm>> -> memref<512x128xf32, #tpu.memory_space<hbm>>
    %dma_wait3A_283 = arith.constant 0 : i32
    %dma_wait3A_284 = tpu.memref_slice %arg6[%sub3A_84, %dma_wait3A_283] : memref<768x128xf32, #tpu.memory_space<vmem_shared>> -> memref<512x128xf32, #tpu.memory_space<vmem_shared>>
    tpu.wait_dma2 semaphore(%arg7 : memref<!tpu.dma_semaphore, #tpu.memory_space<semaphore_mem>>) src(%dma_wait3A_284 : memref<512x128xf32, #tpu.memory_space<vmem_shared>>) dst(%dma_wait3A_282 : memref<512x128xf32, #tpu.memory_space<hbm>>)
    %dma_wait3A_285 = arith.constant 0 : i32
    %dma_wait3A_286 = tpu.memref_slice %arg3[%mul3A_100, %dma_wait3A_285] : memref<262144x128xf32, #tpu.memory_space<hbm>> -> memref<512x128xf32, #tpu.memory_space<hbm>>
    %dma_wait3A_287 = arith.constant 0 : i32
    %dma_wait3A_288 = tpu.memref_slice %arg6[%sub3A_98, %dma_wait3A_287] : memref<768x128xf32, #tpu.memory_space<vmem_shared>> -> memref<512x128xf32, #tpu.memory_space<vmem_shared>>
    tpu.wait_dma2 semaphore(%arg7 : memref<!tpu.dma_semaphore, #tpu.memory_space<semaphore_mem>>) src(%dma_wait3A_288 : memref<512x128xf32, #tpu.memory_space<vmem_shared>>) dst(%dma_wait3A_286 : memref<512x128xf32, #tpu.memory_space<hbm>>)
    %dma_wait3A_289 = arith.constant 0 : i32
    %dma_wait3A_290 = tpu.memref_slice %arg3[%mul3A_114, %dma_wait3A_289] : memref<262144x128xf32, #tpu.memory_space<hbm>> -> memref<512x128xf32, #tpu.memory_space<hbm>>
    %dma_wait3A_291 = arith.constant 0 : i32
    %dma_wait3A_292 = tpu.memref_slice %arg6[%sub3A_112, %dma_wait3A_291] : memref<768x128xf32, #tpu.memory_space<vmem_shared>> -> memref<512x128xf32, #tpu.memory_space<vmem_shared>>
    tpu.wait_dma2 semaphore(%arg7 : memref<!tpu.dma_semaphore, #tpu.memory_space<semaphore_mem>>) src(%dma_wait3A_292 : memref<512x128xf32, #tpu.memory_space<vmem_shared>>) dst(%dma_wait3A_290 : memref<512x128xf32, #tpu.memory_space<hbm>>)
    %dma_wait3A_293 = arith.constant 0 : i32
    %dma_wait3A_294 = tpu.memref_slice %arg3[%mul3A_128, %dma_wait3A_293] : memref<262144x128xf32, #tpu.memory_space<hbm>> -> memref<512x128xf32, #tpu.memory_space<hbm>>
    %dma_wait3A_295 = arith.constant 0 : i32
    %dma_wait3A_296 = tpu.memref_slice %arg6[%sub3A_126, %dma_wait3A_295] : memref<768x128xf32, #tpu.memory_space<vmem_shared>> -> memref<512x128xf32, #tpu.memory_space<vmem_shared>>
    tpu.wait_dma2 semaphore(%arg7 : memref<!tpu.dma_semaphore, #tpu.memory_space<semaphore_mem>>) src(%dma_wait3A_296 : memref<512x128xf32, #tpu.memory_space<vmem_shared>>) dst(%dma_wait3A_294 : memref<512x128xf32, #tpu.memory_space<hbm>>)
    %dma_wait3A_297 = arith.constant 0 : i32
    %dma_wait3A_298 = tpu.memref_slice %arg3[%mul3A_142, %dma_wait3A_297] : memref<262144x128xf32, #tpu.memory_space<hbm>> -> memref<512x128xf32, #tpu.memory_space<hbm>>
    %dma_wait3A_299 = arith.constant 0 : i32
    %dma_wait3A_300 = tpu.memref_slice %arg6[%sub3A_140, %dma_wait3A_299] : memref<768x128xf32, #tpu.memory_space<vmem_shared>> -> memref<512x128xf32, #tpu.memory_space<vmem_shared>>
    tpu.wait_dma2 semaphore(%arg7 : memref<!tpu.dma_semaphore, #tpu.memory_space<semaphore_mem>>) src(%dma_wait3A_300 : memref<512x128xf32, #tpu.memory_space<vmem_shared>>) dst(%dma_wait3A_298 : memref<512x128xf32, #tpu.memory_space<hbm>>)
    %dma_wait3A_301 = arith.constant 0 : i32
    %dma_wait3A_302 = tpu.memref_slice %arg3[%mul3A_156, %dma_wait3A_301] : memref<262144x128xf32, #tpu.memory_space<hbm>> -> memref<512x128xf32, #tpu.memory_space<hbm>>
    %dma_wait3A_303 = arith.constant 0 : i32
    %dma_wait3A_304 = tpu.memref_slice %arg6[%sub3A_154, %dma_wait3A_303] : memref<768x128xf32, #tpu.memory_space<vmem_shared>> -> memref<512x128xf32, #tpu.memory_space<vmem_shared>>
    tpu.wait_dma2 semaphore(%arg7 : memref<!tpu.dma_semaphore, #tpu.memory_space<semaphore_mem>>) src(%dma_wait3A_304 : memref<512x128xf32, #tpu.memory_space<vmem_shared>>) dst(%dma_wait3A_302 : memref<512x128xf32, #tpu.memory_space<hbm>>)
    %dma_wait3A_305 = arith.constant 0 : i32
    %dma_wait3A_306 = tpu.memref_slice %arg3[%mul3A_170, %dma_wait3A_305] : memref<262144x128xf32, #tpu.memory_space<hbm>> -> memref<512x128xf32, #tpu.memory_space<hbm>>
    %dma_wait3A_307 = arith.constant 0 : i32
    %dma_wait3A_308 = tpu.memref_slice %arg6[%sub3A_168, %dma_wait3A_307] : memref<768x128xf32, #tpu.memory_space<vmem_shared>> -> memref<512x128xf32, #tpu.memory_space<vmem_shared>>
    tpu.wait_dma2 semaphore(%arg7 : memref<!tpu.dma_semaphore, #tpu.memory_space<semaphore_mem>>) src(%dma_wait3A_308 : memref<512x128xf32, #tpu.memory_space<vmem_shared>>) dst(%dma_wait3A_306 : memref<512x128xf32, #tpu.memory_space<hbm>>)
    %dma_wait3A_309 = arith.constant 0 : i32
    %dma_wait3A_310 = tpu.memref_slice %arg3[%mul3A_184, %dma_wait3A_309] : memref<262144x128xf32, #tpu.memory_space<hbm>> -> memref<512x128xf32, #tpu.memory_space<hbm>>
    %dma_wait3A_311 = arith.constant 0 : i32
    %dma_wait3A_312 = tpu.memref_slice %arg6[%sub3A_182, %dma_wait3A_311] : memref<768x128xf32, #tpu.memory_space<vmem_shared>> -> memref<512x128xf32, #tpu.memory_space<vmem_shared>>
    tpu.wait_dma2 semaphore(%arg7 : memref<!tpu.dma_semaphore, #tpu.memory_space<semaphore_mem>>) src(%dma_wait3A_312 : memref<512x128xf32, #tpu.memory_space<vmem_shared>>) dst(%dma_wait3A_310 : memref<512x128xf32, #tpu.memory_space<hbm>>)
    %dma_wait3A_313 = arith.constant 0 : i32
    %dma_wait3A_314 = tpu.memref_slice %arg3[%mul3A_198, %dma_wait3A_313] : memref<262144x128xf32, #tpu.memory_space<hbm>> -> memref<512x128xf32, #tpu.memory_space<hbm>>
    %dma_wait3A_315 = arith.constant 0 : i32
    %dma_wait3A_316 = tpu.memref_slice %arg6[%sub3A_196, %dma_wait3A_315] : memref<768x128xf32, #tpu.memory_space<vmem_shared>> -> memref<512x128xf32, #tpu.memory_space<vmem_shared>>
    tpu.wait_dma2 semaphore(%arg7 : memref<!tpu.dma_semaphore, #tpu.memory_space<semaphore_mem>>) src(%dma_wait3A_316 : memref<512x128xf32, #tpu.memory_space<vmem_shared>>) dst(%dma_wait3A_314 : memref<512x128xf32, #tpu.memory_space<hbm>>)
    %dma_wait3A_317 = arith.constant 0 : i32
    %dma_wait3A_318 = tpu.memref_slice %arg3[%mul3A_212, %dma_wait3A_317] : memref<262144x128xf32, #tpu.memory_space<hbm>> -> memref<512x128xf32, #tpu.memory_space<hbm>>
    %dma_wait3A_319 = arith.constant 0 : i32
    %dma_wait3A_320 = tpu.memref_slice %arg6[%sub3A_210, %dma_wait3A_319] : memref<768x128xf32, #tpu.memory_space<vmem_shared>> -> memref<512x128xf32, #tpu.memory_space<vmem_shared>>
    tpu.wait_dma2 semaphore(%arg7 : memref<!tpu.dma_semaphore, #tpu.memory_space<semaphore_mem>>) src(%dma_wait3A_320 : memref<512x128xf32, #tpu.memory_space<vmem_shared>>) dst(%dma_wait3A_318 : memref<512x128xf32, #tpu.memory_space<hbm>>)
    %dma_wait3A_321 = arith.constant 0 : i32
    %dma_wait3A_322 = tpu.memref_slice %arg3[%mul3A_226, %dma_wait3A_321] : memref<262144x128xf32, #tpu.memory_space<hbm>> -> memref<512x128xf32, #tpu.memory_space<hbm>>
    %dma_wait3A_323 = arith.constant 0 : i32
    %dma_wait3A_324 = tpu.memref_slice %arg6[%sub3A_224, %dma_wait3A_323] : memref<768x128xf32, #tpu.memory_space<vmem_shared>> -> memref<512x128xf32, #tpu.memory_space<vmem_shared>>
    tpu.wait_dma2 semaphore(%arg7 : memref<!tpu.dma_semaphore, #tpu.memory_space<semaphore_mem>>) src(%dma_wait3A_324 : memref<512x128xf32, #tpu.memory_space<vmem_shared>>) dst(%dma_wait3A_322 : memref<512x128xf32, #tpu.memory_space<hbm>>)
    %dma_wait3A_325 = arith.constant 0 : i32
    %dma_wait3A_326 = tpu.memref_slice %arg3[%mul3A_240, %dma_wait3A_325] : memref<262144x128xf32, #tpu.memory_space<hbm>> -> memref<512x128xf32, #tpu.memory_space<hbm>>
    %dma_wait3A_327 = arith.constant 0 : i32
    %dma_wait3A_328 = tpu.memref_slice %arg6[%sub3A_238, %dma_wait3A_327] : memref<768x128xf32, #tpu.memory_space<vmem_shared>> -> memref<512x128xf32, #tpu.memory_space<vmem_shared>>
    tpu.wait_dma2 semaphore(%arg7 : memref<!tpu.dma_semaphore, #tpu.memory_space<semaphore_mem>>) src(%dma_wait3A_328 : memref<512x128xf32, #tpu.memory_space<vmem_shared>>) dst(%dma_wait3A_326 : memref<512x128xf32, #tpu.memory_space<hbm>>)
    %dma_wait3A_329 = arith.constant 0 : i32
    %dma_wait3A_330 = tpu.memref_slice %arg3[%mul3A_254, %dma_wait3A_329] : memref<262144x128xf32, #tpu.memory_space<hbm>> -> memref<512x128xf32, #tpu.memory_space<hbm>>
    %dma_wait3A_331 = arith.constant 0 : i32
    %dma_wait3A_332 = tpu.memref_slice %arg6[%sub3A_252, %dma_wait3A_331] : memref<768x128xf32, #tpu.memory_space<vmem_shared>> -> memref<512x128xf32, #tpu.memory_space<vmem_shared>>
    tpu.wait_dma2 semaphore(%arg7 : memref<!tpu.dma_semaphore, #tpu.memory_space<semaphore_mem>>) src(%dma_wait3A_332 : memref<512x128xf32, #tpu.memory_space<vmem_shared>>) dst(%dma_wait3A_330 : memref<512x128xf32, #tpu.memory_space<hbm>>)
    %dma_wait3A_333 = arith.constant 0 : i32
    %dma_wait3A_334 = tpu.memref_slice %arg3[%mul3A_268, %dma_wait3A_333] : memref<262144x128xf32, #tpu.memory_space<hbm>> -> memref<512x128xf32, #tpu.memory_space<hbm>>
    %dma_wait3A_335 = arith.constant 0 : i32
    %dma_wait3A_336 = tpu.memref_slice %arg6[%sub3A_266, %dma_wait3A_335] : memref<768x128xf32, #tpu.memory_space<vmem_shared>> -> memref<512x128xf32, #tpu.memory_space<vmem_shared>>
    tpu.wait_dma2 semaphore(%arg7 : memref<!tpu.dma_semaphore, #tpu.memory_space<semaphore_mem>>) src(%dma_wait3A_336 : memref<512x128xf32, #tpu.memory_space<vmem_shared>>) dst(%dma_wait3A_334 : memref<512x128xf32, #tpu.memory_space<hbm>>)
    return
  }
}

</mosaic_0001>

<sc_bundles>
// kernel: kernel.3.cloned.1.call-start
scs
__scs_entry_jumppad:
0x0: {  	(pc) =	sbr.rel $0x88, $3  }
0x1: {  	(tag) =	ssettag $0x0;
	lr =	simm.s32 $0x1  }
0x2: {  	[smem:$0x3FA0] =	sst lr;
	_ =	strace $0xD0000000  }
0x3: {  	_ = 	snop  }
0x4: {  	_ = 	snop  }
0x5: {  	_ = 	snop  }
0x6: {  	_ = 	snop  }
0x7: {  	_ = 	snop  }
__scs_overlays_trampoline_lowered:
0x8: {  	[smem:$0x3FAF] =	sst s0  }
0x9: {  	[smem:$0x3FB0] =	sst s1  }
0xa: {  	[smem:$0x3FB1] =	sst s2  }
0xb: {  	[smem:$0x3FB2] =	sst s3  }
0xc: {  	[smem:$0x3FB3] =	sst s4  }
0xd: {  	[smem:$0x3FB4] =	sst s5  }
0xe: {  	[smem:$0x3FB5] =	sst s6  }
0xf: {  	[smem:$0x3FB6] =	sst s7  }
0x10: {  	[smem:$0x3FB7] =	sst s8  }
0x11: {  	[smem:$0x3FB8] =	sst s9;
	s0 =	simm.s32 @!p0 $0x0  }
0x12: {  	s1 =	sld [smem:$0x3F9E];
	s0 =	simm.s32 @p0 $0x1  }
0x13: {  	[smem:$0x3FB9] =	sst s0;
	s0 =	simm.s32 @!p1 $0x0  }
0x14: {  	s2 =	sld [smem:$0x3F9D];
	s0 =	simm.s32 @p1 $0x1  }
0x15: {  	[smem:$0x3FBA] =	sst s0;
	s0 =	simm.s32 @!p2 $0x0  }
0x16: {  	s3 =	sld [smem:$0x3FDB];
	s0 =	simm.s32 @p2 $0x1  }
0x17: {  	s4 =	simm.s32 $0x1BF5;
	[smem:$0x3FBC] =	sst s0  }
0x18: {  	s0 =	sld [smem:$0x3F9F];
	_ =	swait.ge [sflag:s4], $0x0  }
0x19: {  	s7 =	sld [smem:$0x3FA0]  }
0x1a: {  	s8 =	sadd.s32 $0xFFFFE003, lr  }
0x1b: {  	s9 =	sadd.s32 $0xFFFFFEF7, lr;
	s5 =	simm.s32 $0xFFFFFFFF;
	p2 =	slt.u32 s8, $0xFFFFF086  }
0x1c: {  	p1 =	slt.u32 s9, $0xF7A;
	s5 =	simm.s32 @!p2 $0x0  }
0x1d: {  	s5 =	simm.s32 @p1 $0x1;
	p0 =	seq.s32 s7, s2  }
0x1e: {  	s7 =	smul.u32 @!p0 $0xF7A, s2;
	p2 =	seq.s32 @!p0 s5, $0x0  }
0x1f: {  	s9 =	smul.u32 $0xF7A, s1;
	s8 =	simm.s32 @!p0 $0x1BF5;
	p2 =	por !p2, p0  }
0x20: {  	[sflag:s8] =	ssyncset.s32 @!p0 $0xFFFFF086;
	s6 =	sadd.s32 @!p0 s3, s7;
	s7 =	simm.s32 @!p0 $0x108  }
0x21: {  	s3 =	sadd.s32 s3, s9;
	s6 =	sadd.s32 @!p0 $0x88, s6;
	s7 =	simm.s32 @p2 $0x1082  }
0x22: {  	[simem:s7], [sflag:s8] =	dma.local @!p0 [hbm:s6], $0xF7A  }
0x23: {  	s9 =	sor.u32 $0xD0000000, s2;
	s6 =	simm.s32 $0x108;
	_ =	swait.ge @!p0 [sflag:s8], $0x0  }
0x24: {  	s3 =	sadd.s32 $0x88, s3;
	s6 =	simm.s32 @!p1 $0x1082;
	[sflag:s4] =	ssyncset.s32 $0xFFFFF086  }
0x25: {  	[simem:s6], [sflag:s4] =	dma.local [hbm:s3], $0xF7A  }
0x26: {  	[smem:$0x3FA0] =	sst s1;
	(tag) =	ssettag s2;
	_ =	strace s9  }
0x27: {  	s1 =	sld [smem:$0x3FB0]  }
0x28: {  	s2 =	sld [smem:$0x3FB1]  }
0x29: {  	s4 =	sld [smem:$0x3FB3]  }
0x2a: {  	p0 =	seq.s32 s5, $0x0;
	s5 =	sld [smem:$0x3FB4]  }
0x2b: {  	s6 =	sld [smem:$0x3FB5]  }
0x2c: {  	s7 =	sld [smem:$0x3FB6]  }
0x2d: {  	s3 =	simm.s32 $0x108;
	s8 =	sld [smem:$0x3FB7]  }
0x2e: {  	s3 =	simm.s32 @!p0 $0x1082;
	s9 =	sld [smem:$0x3FB8]  }
0x2f: {  	lr =	sadd.s32 s0, s3;
	s0 =	sld [smem:$0x3FAF]  }
0x30: {  	s3 =	sld [smem:$0x3FB2]  }
0x31: {  	[smem:$0x3FBB] =	sst s10  }
0x32: {  	s10 =	sld [smem:$0x3FB9];
	_ =	sdelay $0x3  }
0x33: {  	p0 =	seq.s32 s10, $0x1;
	s10 =	sld [smem:$0x3FBB];
	_ =	sdelay $0x3  }
0x34: {  	[smem:$0x3FBB] =	sst s10  }
0x35: {  	s10 =	sld [smem:$0x3FBA];
	_ =	sdelay $0x3  }
0x36: {  	p1 =	seq.s32 s10, $0x1;
	s10 =	sld [smem:$0x3FBB];
	_ =	sdelay $0x3  }
0x37: {  	[smem:$0x3FBB] =	sst s10  }
0x38: {  	s10 =	sld [smem:$0x3FBC]  }
0x39: {  	_ = 	snop;
	(pc) =	sbr.ind lr, $3  }
0x3a: {  	_ = 	snop  }
0x3b: {  	_ = 	snop  }
0x3c: {  	p2 =	seq.s32 s10, $0x1;
	s10 =	sld [smem:$0x3FBB]  }
0x3d: {  	_ =	shalt  }
0x3e: {  	_ =	shalt  }
0x3f: {  	_ =	shalt  }
0x40: {  	_ =	shalt  }
0x41: {  	_ =	shalt  }
0x42: {  	_ =	shalt  }
0x43: {  	_ =	shalt  }
0x44: {  	_ =	shalt  }
0x45: {  	_ =	shalt  }
0x46: {  	_ =	shalt  }
0x47: {  	_ =	shalt  }
0x48: {  	_ =	shalt  }
0x49: {  	_ =	shalt  }
0x4a: {  	_ =	shalt  }
0x4b: {  	_ =	shalt  }
0x4c: {  	_ =	shalt  }
0x4d: {  	_ =	shalt  }
0x4e: {  	_ =	shalt  }
0x4f: {  	_ =	shalt  }
0x50: {  	_ =	shalt  }
0x51: {  	_ =	shalt  }
0x52: {  	_ =	shalt  }
0x53: {  	_ =	shalt  }
0x54: {  	_ =	shalt  }
0x55: {  	_ =	shalt  }
0x56: {  	_ =	shalt  }
0x57: {  	_ =	shalt  }
0x58: {  	_ =	shalt  }
0x59: {  	_ =	shalt  }
0x5a: {  	_ =	shalt  }
0x5b: {  	_ =	shalt  }
0x5c: {  	_ =	shalt  }
0x5d: {  	_ =	shalt  }
0x5e: {  	_ =	shalt  }
0x5f: {  	_ =	shalt  }
0x60: {  	_ =	shalt  }
0x61: {  	_ =	shalt  }
0x62: {  	_ =	shalt  }
0x63: {  	_ =	shalt  }
0x64: {  	_ =	shalt  }
0x65: {  	_ =	shalt  }
0x66: {  	_ =	shalt  }
0x67: {  	_ =	shalt  }
0x68: {  	_ =	shalt  }
0x69: {  	_ =	shalt  }
0x6a: {  	_ =	shalt  }
0x6b: {  	_ =	shalt  }
0x6c: {  	_ =	shalt  }
0x6d: {  	_ =	shalt  }
0x6e: {  	_ =	shalt  }
0x6f: {  	_ =	shalt  }
0x70: {  	_ =	shalt  }
0x71: {  	_ =	shalt  }
0x72: {  	_ =	shalt  }
0x73: {  	_ =	shalt  }
0x74: {  	_ =	shalt  }
0x75: {  	_ =	shalt  }
0x76: {  	_ =	shalt  }
0x77: {  	_ =	shalt  }
0x78: {  	_ =	shalt  }
0x79: {  	_ =	shalt  }
0x7a: {  	_ =	shalt  }
0x7b: {  	_ =	shalt  }
0x7c: {  	_ =	shalt  }
0x7d: {  	_ =	shalt  }
0x7e: {  	_ =	shalt  }
0x7f: {  	_ =	shalt  }
0x80: {  	_ =	shalt  }
0x81: {  	_ =	shalt  }
0x82: {  	_ =	shalt  }
0x83: {  	_ =	shalt  }
0x84: {  	_ =	shalt  }
0x85: {  	_ =	shalt  }
0x86: {  	_ =	shalt  }
0x87: {  	_ =	shalt  }
.Lfunc_end0:
.L_simem_size_0:
called_computation_lowered:
.L_overlay_start_0:
0x88: {  	s2 =	sld [smem:$0x3FD9]  }
0x89: {  	s3 =	sld [smem:$0x3FFE];
	_ =	sdelay $0x1  }
0x8a: {  	s1 =	srdreg.scid  }
0x8b: {  	s0 =	sand.u32 $0x1, s1  }
0x8c: {  	s18 =	sshll.u32 s0, $0xA;
	s2 =	sadd.s32 s3, s2  }
0x8d: {  	s2 =	sadd.s32 s2, s18  }
0x8e: {  	[smem:$0x3FC7] =	sst s2  }
0x8f: {  	_ = 	snop  }
0x90: {  	s2 =	sld [smem:$0x3FC9]  }
0x91: {  	s19 =	sld [smem:$0x3FD0];
	(tm) =	ssettm $0x1  }
0x92: {  	s4 =	sld [smem:$0x3FFB];
	_ =	sdelay $0x3  }
0x93: {  	_ =	strace s4  }
0x94: {  	s4 =	sld [smem:$0x3FFC];
	_ =	sdelay $0x3  }
0x95: {  	_ =	strace s4  }
0x96: {  	s4 =	sld [smem:$0x3FFD];
	_ =	sdelay $0x3  }
0x97: {  	_ =	strace s4  }
0x98: {  	_ =	strace $0x8FFFFFFF  }
0x99: {  	s20 =	sld [smem:$0x3FDB];
	_ =	sdelay $0x1  }
0x9a: {  	s5 =	simm.s32 $_scs_section_size  }
0x9b: {  	s6 =	simm.s32 $_size__tile_overlayer_lowered;
	s7 =	simm.s32 $_tile_overlayer_lowered  }
0x9c: {  	s23 =	simm.s32 $0x1BFF;
	s22 =	sshll.u32 s7, $0x1;
	s4 =	sadd.s32 s5, s20  }
0x9d: {  	s8 =	simm.s32 $0x0;
	s21 =	sshll.u32 s6, $0x1;
	s6 =	sadd.s32 s22, s4  }
0x9e: {  	[timem:s8], [sflag:s23] =	dma.local [hbm:s6], s21  }
0x9f: {  	_ =	swait.ge [sflag:s23], s21  }
0xa0: {  	s5 =	ssub.s32 $0x0, s21;
	[sflag:s23] =	ssyncset.done $0x0  }
0xa1: {  	[sflag:s23] =	ssyncadd.s32 s5;
	_ =	sdelay $0x1  }
0xa2: {  	s24 =	simm.s32 $0x1B8B  }
0xa3: {  	_ =	swait.ge [sflag:s24], $0x1  }
0xa4: {  	[sflag:s24] =	ssyncset.done $0x0  }
0xa5: {  	s25 =	simm.s32 $0x1B8E;
	[sflag:s24] =	ssyncadd.s32 $0xFFFFFFFF  }
0xa6: {  	s26 =	simm.s32 $execute0_lowered;
	[smem:$0x3FD2] =	sst s25  }
0xa7: {  	s5 =	sshll.u32 s26, $0x1;
	_ =	strace $0x80000046;
	[dreg:$0x1] =	wrdreg $0xFFFFFFFF  }
0xa8: {  	s28 =	simm.s32 $_size_execute0_lowered;
	s4 =	sadd.s32 s4, s5;
	[dreg:$0x0] =	wrdreg $0x0  }
0xa9: {  	s5 =	sshll.u32 s28, $0x1;
	[dreg:$0x2] =	wrdreg s4  }
0xaa: {  	[dreg:$0x3] =	wrdreg s5  }
0xab: {  	[dreg:$0x4] =	wrdreg $0xC0  }
0xac: {  	_ =	task [dreg:s8], $0x5FFFF  }
0xad: {  	[dreg:$0x1] =	wrdreg $0xFFFFFFFF  }
0xae: {  	[dreg:$0x0] =	wrdreg $0x60  }
0xaf: {  	[dreg:$0x2] =	wrdreg s2  }
0xb0: {  	[dreg:$0x3] =	wrdreg s19  }
0xb1: {  	[dreg:$0x4] =	wrdreg $0x18800  }
0xb2: {  	[dreg:$0x5] =	wrdreg $0x9  }
0xb3: {  	_ =	task.clear_ibuf [dreg:s8], $0x6FFFF;
	_ =	strace $0x90000046  }
0xb4: {  	s29 =	simm.s32 $0x9;
	_ =	strace $0x80000048  }
0xb5: {  	_ =	swait.ge [sflag:s29], $0x1  }
0xb6: {  	[sflag:s29] =	ssyncadd.s32 $0xFFFFFFFF  }
0xb7: {  	_ =	strace $0x90000048  }
0xb8: {  	_ =	sfence  }
0xb9: {  	s30 =	sld [smem:$0x0];
	_ =	sdelay $0x2  }
0xba: {  	s31 =	sshll.u32 s1, $0xD;
	s1 =	sshrl.u32 s1, $0x2  }
0xbb: {  	s3 =	sand.u32 $0x4000, s31;
	s1 =	sadd.s32 s1, s30  }
0xbc: {  	s0 =	sor.u32 s3, s0;
	s1 =	sshll.u32 s1, $0x11  }
0xbd: {  	s0 =	sor.u32 s1, s0  }
0xbe: {  	s0 =	sadd.s32 $0x8F2B, s0  }
0xbf: {  	[sflag:s0] =	ssyncadd.remote.s32 $0x1  }
0xc0: {  	_ =	sfence.sel $0xFFFF  }
0xc1: {  	[dreg:$0x0] =	wrdreg $0xFFFFFFFF;
	(pc) =	sbr.abs _section_cstart, $3  }
0xc2: {  	[dreg:$0x1] =	wrdreg $0xFFFFFFFF  }
0xc3: {  	_ =	task.clear_ibuf [dreg:s8], $0x2FFFF;
	_ =	strace $0x9FFFFFFF  }
0xc4: {  	(tm) =	ssettm $0x7FFFFFFF  }
0xc5: {  	_ =	shalt  }
tec
execute0_lowered:
.L_overlay_start_1:
0x0: {  	(tag) =	ssettag $0x1  }
0x1: {  	s0 =	rddreg [dreg:$0x0];
	s1 =	srdreg.scid  }
0x2: {  	[dreg:$0x4] =	wrdreg s0;
	s0 =	stileid.u32;
	s30 =	sand.u32 $0x1, s1  }
0x3: {  	s3 =	rddreg [dreg:$0x1];
	s7 =	sshll.u32 s30, $0x8;
	s4 =	smul.u32 $0x6000, s0  }
0x4: {  	s8 =	rddreg [dreg:$0x2];
	s2 =	simm.s32 $0x0;
	s9 =	sor.u32 s0, s7  }
0x5: {  	s1 =	rddreg [dreg:$0x3];
	s4 =	sshrl.u32 s4, $0x2;
	s5 =	sshll.u32 s9, $0xD  }
0x6: {  	[smem:$0x7FF] =	sst s2;
	s4 =	sadd.s32 s4, s8;
	s3 =	sadd.s32 s3, s5  }
0x7: {  	_ =	strace $0x80000047;
	[dreg:$0x5] =	wrdreg s4;
	s19 =	sadd.s32 $0x20000, s3  }
0x8: {  	s20 =	sadd.s32 $0x40000, s3;
	[dreg:$0x6] =	wrdreg s19  }
0x9: {  	s21 =	sadd.s32 $0x60000, s3;
	[dreg:$0x7] =	wrdreg s20  }
0xa: {  	s23 =	smul.u32 $0xFFFFFFD0, s0;
	s22 =	sadd.s32 $0x80000, s3;
	[dreg:$0x8] =	wrdreg s21  }
0xb: {  	v0 =	vlaneseq.u32;
	s24 =	sadd.s32 $0xA0000, s3;
	[dreg:$0x9] =	wrdreg s22  }
0xc: {  	v1 =	vmul.u32 $0xFFFFFFFF, v0;
	s5 =	sadd.s32 s7, s23;
	s25 =	sadd.s32 $0xC0000, s3;
	[dreg:$0xa] =	wrdreg s24  }
0xd: {  	s26 =	sadd.s32 $0xE0000, s3;
	s6 =	sadd.s32 $0x2FE, s5;
	[dreg:$0xb] =	wrdreg s25  }
0xe: {  	s31 =	sadd.s32 $0x100000, s3;
	s10 =	sadd.s32 $0x2DE, s5;
	[dreg:$0xc] =	wrdreg s26;
	v0 =	vadd.s32 s6, v1  }
0xf: {  	s11 =	sadd.s32 $0x120000, s3;
	s5 =	sadd.s32 $0x2EE, s5;
	[dreg:$0xd] =	wrdreg s31;
	v2 =	vadd.s32 s10, v1;
	vm0 =	vgt.s32 v0, $0x0  }
0x10: {  	s12 =	sadd.s32 $0x140000, s3;
	[dreg:$0xe] =	wrdreg s11;
	v3 =	vadd.s32 s5, v1;
	vm14 =	vgt.s32 v2, $0x0;
	v0 =	vnsel vm0, $0x0, v0  }
0x11: {  	s15 =	sshll.u32 s0, $0x6;
	[dreg:$0xf] =	wrdreg s12;
	vm15 =	vgt.s32 v3, $0x0;
	v1 =	vnsel vm14, $0x0, v2;
	[tilespmem:$0x0] =	vst v0  }
0x12: {  	s13 =	sadd.s32 $0x160000, s3;
	s4 =	simm.s32 $0x30;
	s10 =	rddreg [dreg:$0x4];
	v2 =	vnsel vm15, $0x0, v3;
	[tilespmem:$0x20] =	vst v1  }
0x13: {  	[dreg:$0x10] =	wrdreg s13;
	s6 =	simm.s32 $0x80;
	s5 =	simm.s32 $0x1;
	[tilespmem:$0x10] =	vst v2  }
0x14: {  	[tilespmem:s6], [sflag:$0x1] =	stream.indirect.gather [hbm4b:s10+s4], $0x80, s2, s4, $0xb8;
	[tilespmem:$0x3080] =	vst v63  }
0x15: {  	s9 =	ssub.s32 s9, s7;
	s7 =	simm.s32 $0x2;
	_ =	swait.ge [sflag:s5], $0x1800  }
0x16: {  	s9 =	sshll.u32 s9, $0x7;
	s29 =	sadd.s32 $0x1E0000, s3;
	[sflag:s5] =	ssyncset.done $0x0  }
0x17: {  	s25 =	ssub.s32 s8, s9;
	s14 =	rddreg [dreg:$0x5];
	[sflag:s5] =	ssyncadd.s32 $0xFFFFE800  }
0x18: {  	[spmem:s14] =	stream.linear.scatter [tilespmem:s6], [sflag:$0x2], $0x1800, $0x38;
	[tilespmem:$0x3080] =	vst v63  }
0x19: {  	s9 =	sor.u32 $0x1C01, s15;
	s8 =	sadd.s32 $0x7F80, s25;
	_ =	swait.ge [sflag:s7], $0x1800  }
0x1a: {  	s16 =	sadd.s32 $0x7780, s25;
	s17 =	sadd.s32 $0x6F80, s25;
	[sflag:s7] =	ssyncset.done $0x0  }
0x1b: {  	s18 =	sadd.s32 $0x6780, s25;
	s19 =	sadd.s32 $0x5F80, s25;
	[sflag:s7] =	ssyncadd.s32 $0xFFFFE800  }
0x1c: {  	s20 =	sadd.s32 $0x5780, s25;
	s8 =	sshrl.u32 s8, $0x3;
	[bflag:$0x0] =	sbarrier.arrive $0xFFFF  }
0x1d: {  	[hbm:s3], [sflag:s9] =	dma.local [spmem:s8], $0x2000  }
0x1e: {  	s21 =	sadd.s32 $0x4F80, s25;
	s10 =	sshrl.u32 s16, $0x3;
	s11 =	rddreg [dreg:$0x6]  }
0x1f: {  	[hbm:s11], [sflag:s9] =	dma.local [spmem:s10], $0x2000  }
0x20: {  	s22 =	sadd.s32 $0x4780, s25;
	s11 =	sshrl.u32 s17, $0x3;
	s12 =	rddreg [dreg:$0x7]  }
0x21: {  	[hbm:s12], [sflag:s9] =	dma.local [spmem:s11], $0x2000  }
0x22: {  	s23 =	sadd.s32 $0x3F80, s25;
	s12 =	sshrl.u32 s18, $0x3;
	s13 =	rddreg [dreg:$0x8]  }
0x23: {  	[hbm:s13], [sflag:s9] =	dma.local [spmem:s12], $0x2000  }
0x24: {  	s24 =	sadd.s32 $0x3780, s25;
	s13 =	sshrl.u32 s19, $0x3;
	s14 =	rddreg [dreg:$0x9]  }
0x25: {  	[hbm:s14], [sflag:s9] =	dma.local [spmem:s13], $0x2000  }
0x26: {  	s26 =	sadd.s32 $0x2F80, s25;
	s14 =	sshrl.u32 s20, $0x3;
	s15 =	rddreg [dreg:$0xa]  }
0x27: {  	[hbm:s15], [sflag:s9] =	dma.local [spmem:s14], $0x2000  }
0x28: {  	s31 =	sadd.s32 $0x2780, s25;
	s15 =	sshrl.u32 s21, $0x3;
	s16 =	rddreg [dreg:$0xb]  }
0x29: {  	[hbm:s16], [sflag:s9] =	dma.local [spmem:s15], $0x2000  }
0x2a: {  	s28 =	sadd.s32 $0x780, s25;
	s16 =	sshrl.u32 s22, $0x3;
	s22 =	sadd.s32 $0x1F80, s25  }
0x2b: {  	s28 =	sshrl.u32 s28, $0x3;
	s17 =	rddreg [dreg:$0xc];
	s22 =	sshrl.u32 s22, $0x3  }
0x2c: {  	[hbm:s17], [sflag:s9] =	dma.local [spmem:s16], $0x2000  }
0x2d: {  	s17 =	sshrl.u32 s23, $0x3;
	s23 =	sadd.s32 $0x1780, s25;
	s18 =	rddreg [dreg:$0xd]  }
0x2e: {  	[hbm:s18], [sflag:s9] =	dma.local [spmem:s17], $0x2000  }
0x2f: {  	s23 =	sshrl.u32 s23, $0x3;
	s18 =	sshrl.u32 s24, $0x3;
	s19 =	rddreg [dreg:$0xe]  }
0x30: {  	[hbm:s19], [sflag:s9] =	dma.local [spmem:s18], $0x2000  }
0x31: {  	s24 =	sadd.s32 $0x1A0000, s3;
	s19 =	sshrl.u32 s26, $0x3;
	s20 =	rddreg [dreg:$0xf]  }
0x32: {  	[hbm:s20], [sflag:s9] =	dma.local [spmem:s19], $0x2000  }
0x33: {  	s26 =	sadd.s32 $0xF80, s25;
	s20 =	sshrl.u32 s31, $0x3;
	s21 =	rddreg [dreg:$0x10]  }
0x34: {  	[hbm:s21], [sflag:s9] =	dma.local [spmem:s20], $0x2000  }
0x35: {  	s25 =	sshrl.u32 s26, $0x3;
	s26 =	sadd.s32 $0x1C0000, s3;
	s21 =	sadd.s32 $0x180000, s3  }
0x36: {  	[hbm:s21], [sflag:s9] =	dma.local [spmem:s22], $0x2000  }
0x37: {  	[hbm:s24], [sflag:s9] =	dma.local [spmem:s23], $0x2000  }
0x38: {  	[hbm:s26], [sflag:s9] =	dma.local [spmem:s25], $0x2000  }
0x39: {  	[hbm:s29], [sflag:s9] =	dma.local [spmem:s28], $0x2000  }
0x3a: {  	_ =	swait.ge [sflag:s5], $0x2000  }
0x3b: {  	[sflag:s5] =	ssyncset.done $0x0  }
0x3c: {  	[sflag:s5] =	ssyncadd.s32 $0xFFFFE000  }
0x3d: {  	_ =	swait.ge [sflag:s5], $0x2000  }
0x3e: {  	[sflag:s5] =	ssyncset.done $0x0  }
0x3f: {  	[sflag:s5] =	ssyncadd.s32 $0xFFFFE000  }
0x40: {  	_ =	swait.ge [sflag:s5], $0x2000  }
0x41: {  	[sflag:s5] =	ssyncset.done $0x0  }
0x42: {  	[sflag:s5] =	ssyncadd.s32 $0xFFFFE000  }
0x43: {  	_ =	swait.ge [sflag:s5], $0x2000  }
0x44: {  	[sflag:s5] =	ssyncset.done $0x0  }
0x45: {  	[sflag:s5] =	ssyncadd.s32 $0xFFFFE000  }
0x46: {  	_ =	swait.ge [sflag:s5], $0x2000  }
0x47: {  	[sflag:s5] =	ssyncset.done $0x0  }
0x48: {  	[sflag:s5] =	ssyncadd.s32 $0xFFFFE000  }
0x49: {  	_ =	swait.ge [sflag:s5], $0x2000  }
0x4a: {  	[sflag:s5] =	ssyncset.done $0x0  }
0x4b: {  	[sflag:s5] =	ssyncadd.s32 $0xFFFFE000  }
0x4c: {  	_ =	swait.ge [sflag:s5], $0x2000  }
0x4d: {  	[sflag:s5] =	ssyncset.done $0x0  }
0x4e: {  	[sflag:s5] =	ssyncadd.s32 $0xFFFFE000  }
0x4f: {  	_ =	swait.ge [sflag:s5], $0x2000  }
0x50: {  	[sflag:s5] =	ssyncset.done $0x0  }
0x51: {  	[sflag:s5] =	ssyncadd.s32 $0xFFFFE000  }
0x52: {  	_ =	swait.ge [sflag:s5], $0x2000  }
0x53: {  	[sflag:s5] =	ssyncset.done $0x0  }
0x54: {  	[sflag:s5] =	ssyncadd.s32 $0xFFFFE000  }
0x55: {  	_ =	swait.ge [sflag:s5], $0x2000  }
0x56: {  	[sflag:s5] =	ssyncset.done $0x0  }
0x57: {  	[sflag:s5] =	ssyncadd.s32 $0xFFFFE000  }
0x58: {  	_ =	swait.ge [sflag:s5], $0x2000  }
0x59: {  	[sflag:s5] =	ssyncset.done $0x0  }
0x5a: {  	[sflag:s5] =	ssyncadd.s32 $0xFFFFE000  }
0x5b: {  	_ =	swait.ge [sflag:s5], $0x2000  }
0x5c: {  	[sflag:s5] =	ssyncset.done $0x0  }
0x5d: {  	[sflag:s5] =	ssyncadd.s32 $0xFFFFE000  }
0x5e: {  	_ =	swait.ge [sflag:s5], $0x2000  }
0x5f: {  	s30 =	ssub.s32 $0x2, s30;
	[sflag:s5] =	ssyncset.done $0x0  }
0x60: {  	s31 =	sshrl.u32 s30, $0x1;
	[sflag:s5] =	ssyncadd.s32 $0xFFFFE000  }
0x61: {  	s30 =	ssub.s32 s30, s31;
	_ =	swait.ge [sflag:s5], $0x2000  }
0x62: {  	s30 =	smax.u32 s30, $0x1;
	[sflag:s5] =	ssyncset.done $0x0  }
0x63: {  	p0 =	sne.s32 s30, $0x1;
	[sflag:s5] =	ssyncadd.s32 $0xFFFFE000  }
.Ltmp0:
0x64: {  	_ =	swait.ge [sflag:s5], $0x2000;
	(pc) =	sbr.rel @!p0 .LBB2_2-.Ltmp0, $4  }
0x65: {  	[sflag:s5] =	ssyncset.done $0x0  }
0x66: {  	[sflag:s5] =	ssyncadd.s32 $0xFFFFE000  }
0x67: {  	_ =	swait.ge [sflag:s5], $0x2000  }
0x68: {  	s30 =	sadd.s32 $0xFFFFFFFF, s30;
	[sflag:s5] =	ssyncset.done $0x0  }
.LBB2_1:
0x69: {  	[sflag:s5] =	ssyncadd.s32 $0xFFFFE000  }
0x6a: {  	[tilespmem:$0x0] =	vst v0  }
0x6b: {  	[tilespmem:$0x20] =	vst v1  }
0x6c: {  	s31 =	rddreg [dreg:$0x4];
	[tilespmem:$0x10] =	vst v2  }
0x6d: {  	[tilespmem:s6], [sflag:$0x1] =	stream.indirect.gather [hbm4b:s31+s4], $0x80, s2, s4, $0xb8;
	[tilespmem:$0x3080] =	vst v63  }
0x6e: {  	_ =	swait.ge [sflag:s5], $0x1800  }
0x6f: {  	[sflag:s5] =	ssyncset.done $0x0  }
0x70: {  	s31 =	rddreg [dreg:$0x5];
	[sflag:s5] =	ssyncadd.s32 $0xFFFFE800  }
0x71: {  	[spmem:s31] =	stream.linear.scatter [tilespmem:s6], [sflag:$0x2], $0x1800, $0x38;
	[tilespmem:$0x3080] =	vst v63  }
0x72: {  	_ =	swait.ge [sflag:s7], $0x1800  }
0x73: {  	[sflag:s7] =	ssyncset.done $0x0  }
0x74: {  	[sflag:s7] =	ssyncadd.s32 $0xFFFFE800  }
0x75: {  	[bflag:$0x0] =	sbarrier.arrive $0xFFFF  }
0x76: {  	[hbm:s3], [sflag:s9] =	dma.local [spmem:s8], $0x2000  }
0x77: {  	s31 =	rddreg [dreg:$0x6]  }
0x78: {  	[hbm:s31], [sflag:s9] =	dma.local [spmem:s10], $0x2000  }
0x79: {  	s31 =	rddreg [dreg:$0x7]  }
0x7a: {  	[hbm:s31], [sflag:s9] =	dma.local [spmem:s11], $0x2000  }
0x7b: {  	s31 =	rddreg [dreg:$0x8]  }
0x7c: {  	[hbm:s31], [sflag:s9] =	dma.local [spmem:s12], $0x2000  }
0x7d: {  	s31 =	rddreg [dreg:$0x9]  }
0x7e: {  	[hbm:s31], [sflag:s9] =	dma.local [spmem:s13], $0x2000  }
0x7f: {  	s31 =	rddreg [dreg:$0xa]  }
0x80: {  	[hbm:s31], [sflag:s9] =	dma.local [spmem:s14], $0x2000  }
0x81: {  	s31 =	rddreg [dreg:$0xb]  }
0x82: {  	[hbm:s31], [sflag:s9] =	dma.local [spmem:s15], $0x2000  }
0x83: {  	s31 =	rddreg [dreg:$0xc]  }
0x84: {  	[hbm:s31], [sflag:s9] =	dma.local [spmem:s16], $0x2000  }
0x85: {  	s31 =	rddreg [dreg:$0xd]  }
0x86: {  	[hbm:s31], [sflag:s9] =	dma.local [spmem:s17], $0x2000  }
0x87: {  	s31 =	rddreg [dreg:$0xe]  }
0x88: {  	[hbm:s31], [sflag:s9] =	dma.local [spmem:s18], $0x2000  }
0x89: {  	s31 =	rddreg [dreg:$0xf]  }
0x8a: {  	[hbm:s31], [sflag:s9] =	dma.local [spmem:s19], $0x2000  }
0x8b: {  	s31 =	rddreg [dreg:$0x10]  }
0x8c: {  	[hbm:s31], [sflag:s9] =	dma.local [spmem:s20], $0x2000  }
0x8d: {  	[hbm:s21], [sflag:s9] =	dma.local [spmem:s22], $0x2000  }
0x8e: {  	[hbm:s24], [sflag:s9] =	dma.local [spmem:s23], $0x2000  }
0x8f: {  	[hbm:s26], [sflag:s9] =	dma.local [spmem:s25], $0x2000  }
0x90: {  	[hbm:s29], [sflag:s9] =	dma.local [spmem:s28], $0x2000  }
0x91: {  	_ =	swait.ge [sflag:s5], $0x2000  }
0x92: {  	[sflag:s5] =	ssyncset.done $0x0  }
0x93: {  	[sflag:s5] =	ssyncadd.s32 $0xFFFFE000  }
0x94: {  	_ =	swait.ge [sflag:s5], $0x2000  }
0x95: {  	[sflag:s5] =	ssyncset.done $0x0  }
0x96: {  	[sflag:s5] =	ssyncadd.s32 $0xFFFFE000  }
0x97: {  	_ =	swait.ge [sflag:s5], $0x2000  }
0x98: {  	[sflag:s5] =	ssyncset.done $0x0  }
0x99: {  	[sflag:s5] =	ssyncadd.s32 $0xFFFFE000  }
0x9a: {  	_ =	swait.ge [sflag:s5], $0x2000  }
0x9b: {  	[sflag:s5] =	ssyncset.done $0x0  }
0x9c: {  	[sflag:s5] =	ssyncadd.s32 $0xFFFFE000  }
0x9d: {  	_ =	swait.ge [sflag:s5], $0x2000  }
0x9e: {  	[sflag:s5] =	ssyncset.done $0x0  }
0x9f: {  	[sflag:s5] =	ssyncadd.s32 $0xFFFFE000  }
0xa0: {  	_ =	swait.ge [sflag:s5], $0x2000  }
0xa1: {  	[sflag:s5] =	ssyncset.done $0x0  }
0xa2: {  	[sflag:s5] =	ssyncadd.s32 $0xFFFFE000  }
0xa3: {  	_ =	swait.ge [sflag:s5], $0x2000  }
0xa4: {  	[sflag:s5] =	ssyncset.done $0x0  }
0xa5: {  	[sflag:s5] =	ssyncadd.s32 $0xFFFFE000  }
0xa6: {  	_ =	swait.ge [sflag:s5], $0x2000  }
0xa7: {  	[sflag:s5] =	ssyncset.done $0x0  }
0xa8: {  	[sflag:s5] =	ssyncadd.s32 $0xFFFFE000  }
0xa9: {  	_ =	swait.ge [sflag:s5], $0x2000  }
0xaa: {  	[sflag:s5] =	ssyncset.done $0x0  }
0xab: {  	[sflag:s5] =	ssyncadd.s32 $0xFFFFE000  }
0xac: {  	_ =	swait.ge [sflag:s5], $0x2000  }
0xad: {  	[sflag:s5] =	ssyncset.done $0x0  }
0xae: {  	[sflag:s5] =	ssyncadd.s32 $0xFFFFE000  }
0xaf: {  	_ =	swait.ge [sflag:s5], $0x2000  }
0xb0: {  	[sflag:s5] =	ssyncset.done $0x0  }
0xb1: {  	[sflag:s5] =	ssyncadd.s32 $0xFFFFE000  }
0xb2: {  	_ =	swait.ge [sflag:s5], $0x2000  }
0xb3: {  	[sflag:s5] =	ssyncset.done $0x0  }
0xb4: {  	[sflag:s5] =	ssyncadd.s32 $0xFFFFE000  }
0xb5: {  	_ =	swait.ge [sflag:s5], $0x2000  }
0xb6: {  	[sflag:s5] =	ssyncset.done $0x0  }
0xb7: {  	[sflag:s5] =	ssyncadd.s32 $0xFFFFE000  }
0xb8: {  	_ =	swait.ge [sflag:s5], $0x2000  }
0xb9: {  	[sflag:s5] =	ssyncset.done $0x0  }
0xba: {  	p0 =	sne.s32 s30, $0x1;
	[sflag:s5] =	ssyncadd.s32 $0xFFFFE000  }
.Ltmp1:
0xbb: {  	_ =	swait.ge [sflag:s5], $0x2000;
	(pc) =	sbr.rel @p0 .LBB2_1-.Ltmp1, $4  }
0xbc: {  	[sflag:s5] =	ssyncset.done $0x0  }
0xbd: {  	[sflag:s5] =	ssyncadd.s32 $0xFFFFE000  }
0xbe: {  	_ =	swait.ge [sflag:s5], $0x2000  }
0xbf: {  	s30 =	sadd.s32 $0xFFFFFFFF, s30;
	[sflag:s5] =	ssyncset.done $0x0  }
.LBB2_2:
0xc0: {  	[sflag:s5] =	ssyncadd.s32 $0xFFFFE000  }
0xc1: {  	_ =	sfence.sel $0x180000  }
0xc2: {  	[bflag:$0x0] =	sbarrier.arrive $0xFFFF  }
0xc3: {  	p0 =	sne.s32 s0, $0x0;
	_ =	strace $0x90000047  }
0xc4: {  	s0 =	sadd.s32 @!p0 $0x100000, s1;
	[bflag:$0x2] =	sbarrier.arrive $0xFFFF  }
0xc5: {  	[sflag:s0] =	ssyncadd.tile.s32 @!p0 $0x1;
	_ =	shalt  }
.Lfunc_end2:
_tile_overlayer_lowered:
.L_overlay_start_2:
0xc6: {  	(tag) =	ssettag $0x2  }
0xc7: {  	s0 =	rddreg [dreg:$0x0];
	s2 =	stileid.u32  }
0xc8: {  	s1 =	rddreg [dreg:$0x1];
	p0 =	sne.s32 s2, $0x0  }
0xc9: {  	s3 =	rddreg [dreg:$0x2];
	[bflag:$0x3] =	sbarrier.arrive $0xFFFF;
	s2 =	simm.s32 @!p0 $0x1C02  }
0xca: {  	[timem:s3], [sflag:s2] =	dma.local @!p0 [hbm:s0], s1  }
0xcb: {  	s0 =	simm.s32 @!p0 $0x2  }
0xcc: {  	_ =	swait.ge @!p0 [sflag:s0], s1  }
0xcd: {  	s1 =	ssub.s32 @!p0 $0x0, s1;
	[sflag:s0] =	ssyncset.done @!p0 $0x0  }
0xce: {  	[sflag:s0] =	ssyncadd.s32 @!p0 s1  }
0xcf: {  	[bflag:$0x3] =	sbarrier.arrive $0xFFFF  }
0xd0: {  	_ =	shalt  }

</sc_bundles>
